<compile_context>
chip_gen: v7x
topology: tpu7x:2x2x1
jax: 0.10.2.dev20260603
libtpu: 0.0.44.dev20260713+nightly
codegen_flags: <defaults>
</compile_context>

<pallas_src>
import functools

import jax
import jax.numpy as jnp
from jax import lax
from jax.experimental import pallas as pl
from jax.experimental.pallas import tpu as pltpu
from jax.experimental.pallas import tpu_sc as plsc

_N = 16384
_C = 1000

_BTC = 2048
_R_TC = 14336
_R_SC = _N - _R_TC

_INFO = plsc.get_sparse_core_info()
_NC = _INFO.num_cores
_NS = _INFO.num_subcores
_NW = _NC * _NS
_RPW = _R_SC // _NW
_G = _RPW // 16

_mesh = plsc.VectorSubcoreMesh(core_axis_name="c", subcore_axis_name="s")




def _tc_body(t_ref, x_ref, o_ref):
    i = pl.program_id(0)

    @pl.when(i == 0)
    def _init():
        o_ref[...] = jnp.zeros((1, 1), jnp.float32)

    x = x_ref[...]
    m = jnp.max(x, axis=1, keepdims=True)
    col = lax.broadcasted_iota(jnp.int32, (_BTC, _C), 1)
    first = jnp.min(jnp.where(x == m, col, _C), axis=1)
    t = t_ref[0, 0, :]
    cnt = jnp.sum((first == t).astype(jnp.float32)).reshape(1, 1)
    o_ref[...] = o_ref[...] + cnt


def _tc_count(true, logits):
    grid = _R_TC // _BTC
    t3 = true.reshape(_N // _BTC, 1, _BTC)
    out = pl.pallas_call(
        _tc_body,
        grid=(grid,),
        in_specs=[
            pl.BlockSpec((1, 1, _BTC), lambda i: (i, 0, 0)),
            pl.BlockSpec((_BTC, _C), lambda i: (i, 0)),
        ],
        out_specs=pl.BlockSpec((1, 1), lambda i: (0, 0)),
        out_shape=jax.ShapeDtypeStruct((1, 1), jnp.float32),
    )(t3, logits)
    return out[0, 0]




@functools.partial(
    pl.kernel,
    mesh=_mesh,
    out_type=jax.ShapeDtypeStruct((_NW, 16), jnp.float32),
    scratch_types=[
        pltpu.VMEM((16, _C), jnp.float32),
        pltpu.VMEM((_RPW,), jnp.int32),
        pltpu.VMEM((16,), jnp.float32),
    ],
    compiler_params=pltpu.CompilerParams(
        use_tc_tiling_on_sc=False, needs_layout_passes=False
    ),
)
def _sc_recall(true_hbm, logits_hbm, out_hbm, buf, tvec, cnt_v):
    wid = lax.axis_index("s") * _NC + lax.axis_index("c")
    base = wid * _RPW
    pltpu.sync_copy(true_hbm.at[pl.ds(base, _RPW)], tvec)

    lanes = lax.broadcasted_iota(jnp.int32, (16,), 0)
    ninf = jnp.full((16,), -jnp.inf, jnp.float32)
    zero = jnp.zeros((16,), jnp.int32)

    def group_body(g, acc):
        pltpu.sync_copy(logits_hbm.at[pl.ds(base + g * 16, 16)], buf)

        def col_body(i, carry):
            m0, m1, m2, m3, a0, a1, a2, a3 = carry
            for d in range(2):
                ic = 2 * i + d
                ibc = jnp.full((16,), ic, jnp.int32)
                v0 = plsc.load_gather(buf, [lanes, ibc])
                v1 = plsc.load_gather(buf, [lanes, ibc + 250])
                v2 = plsc.load_gather(buf, [lanes, ibc + 500])
                v3 = plsc.load_gather(buf, [lanes, ibc + 750])
                u0 = v0 > m0
                u1 = v1 > m1
                u2 = v2 > m2
                u3 = v3 > m3
                m0 = jnp.where(u0, v0, m0)
                m1 = jnp.where(u1, v1, m1)
                m2 = jnp.where(u2, v2, m2)
                m3 = jnp.where(u3, v3, m3)
                a0 = jnp.where(u0, ibc, a0)
                a1 = jnp.where(u1, ibc, a1)
                a2 = jnp.where(u2, ibc, a2)
                a3 = jnp.where(u3, ibc, a3)
            return m0, m1, m2, m3, a0, a1, a2, a3

        init = (ninf, ninf, ninf, ninf, zero, zero, zero, zero)
        m0, m1, m2, m3, a0, a1, a2, a3 = plsc.parallel_loop(
            0, 125, carry=init, unroll=4
        )(lambda i, carry: col_body(i, carry))

        m, am = m0, a0
        for s, (ms, rs) in enumerate(((m1, a1), (m2, a2), (m3, a3)), start=1):
            u = ms > m
            m = jnp.where(u, ms, m)
            am = jnp.where(u, rs + s * 250, am)

        t16 = tvec[pl.ds(g * 16, 16)]
        return acc + jnp.where(am == t16, 1, 0)

    acc = lax.fori_loop(0, _G, group_body, jnp.zeros((16,), jnp.int32))
    cnt_v[...] = acc.astype(jnp.float32)
    pltpu.sync_copy(cnt_v, out_hbm.at[wid])




def kernel(true, logits):
    true = true.astype(jnp.int32)
    sc_parts = _sc_recall(true[_R_TC:], logits[_R_TC:])
    tc_cnt = _tc_count(true, logits)
    return (tc_cnt + jnp.sum(sc_parts)) * (1.0 / _N)

# --- scband reference (transcript-rebuilt; emitter-appended) ---
"""Pipeline reference for scband-recall-47236050321710 (READ-ONLY COPY).

The authoritative reference and input builder live on the scoring server;
editing this copy changes nothing except your own understanding.
"""

import jax, jax.numpy as jnp
import numpy as np

NUM_CLASSES = 1000
MACRO_AVERAGING = False


def one_hot_encode(vec, num_classes):
    # torch: zeros(B, C).scatter_(1, vec.unsqueeze(1), 1)
    onehot = jnp.zeros((vec.shape[0], num_classes), dtype=jnp.float32)
    onehot = onehot.at[jnp.arange(vec.shape[0]), vec].set(1.0)
    return onehot


def setup_inputs(seed: int = 0) -> dict:
    key = jax.random.key(seed)
    k1, k2 = jax.random.split(key)
    true = jax.random.randint(k1, (16384,), 0, NUM_CLASSES, dtype=jnp.int64 if jax.config.jax_enable_x64 else jnp.int32)
    logits = jax.random.normal(k2, (16384, NUM_CLASSES), dtype=jnp.float32)
    return {"true": true, "logits": logits}


def reference(true, logits):
    # forward: pred = logits.argmax(-1); one-hot both; then (as __returnmetric__/compute
    # would on this batch) compute recall.
    pred = jnp.argmax(logits, axis=-1)
    y_true = one_hot_encode(true, NUM_CLASSES)
    y_pred = one_hot_encode(pred, NUM_CLASSES)
    if MACRO_AVERAGING:
        tp = (y_true * y_pred).sum(axis=0)
        fn = (y_true * (1.0 - y_pred)).sum(axis=0)
        recall = (tp / (tp + fn)).sum() / NUM_CLASSES
    else:
        tp = (y_true * y_pred).sum()
        fn = (y_true * (1.0 - y_pred)).sum()
        recall = tp / (tp + fn)
    return recall

if __name__ == "__main__":
    import jax
    _d = setup_inputs()
    print(jax.jit(kernel)(*tuple(_d.values())))

</pallas_src>

<mosaic_0001>
#map = affine_map<(d0, d1) -> (0)>
#map1 = affine_map<(d0, d1) -> (0, 0)>
module attributes {stable_mosaic.version = 14 : i64} {
  func.func @_sc_recall(%arg0: i32, %arg1: i32, %arg2: memref<2048xi32, #tpu.memory_space<hbm>>, %arg3: memref<2048x1000xf32, #tpu.memory_space<hbm>>, %arg4: memref<32x16xf32, #tpu.memory_space<hbm>>, %arg5: memref<16x1000xf32, #tpu.memory_space<vmem>>, %arg6: memref<64xi32, #tpu.memory_space<vmem>>, %arg7: memref<16xf32, #tpu.memory_space<vmem>>) attributes {dimension_semantics = [#tpu.dimension_semantics<core_parallel>, #tpu.dimension_semantics<subcore_parallel>], iteration_bounds = array<i64: 2, 16>, scalar_prefetch = 0 : i64, scratch_operands = 3 : i64, tpu.core_type = #tpu.core_type<sc_vector_subcore>, window_params = [{transform_indices = #map}, {transform_indices = #map1}, {transform_indices = #map1}]} {
    %mul3A = arith.constant 2 : i32
    %mul3A_0 = arith.muli %arg1, %mul3A : i32
    %add3A = arith.addi %mul3A_0, %arg0 : i32
    %mul3A_1 = arith.constant 64 : i32
    %mul3A_2 = arith.muli %add3A, %mul3A_1 : i32
    "tpu.region"() ({
      %run_scoped3A = tpu.sem_alloc : memref<!tpu.dma_semaphore, #tpu.memory_space<semaphore_mem>>
      %dma_start3A = tpu.memref_slice %arg2[%mul3A_2] : memref<2048xi32, #tpu.memory_space<hbm>> -> memref<64xi32, #tpu.memory_space<hbm>>
      %dma_start3A_14 = tpu.memref_slice %arg2[%mul3A_2] : memref<2048xi32, #tpu.memory_space<hbm>> -> memref<64xi32, #tpu.memory_space<hbm>>
      tpu.enqueue_dma source(%dma_start3A_14 : memref<64xi32, #tpu.memory_space<hbm>>) target(%arg6 : memref<64xi32, #tpu.memory_space<vmem>>) target_semaphore(%run_scoped3A : memref<!tpu.dma_semaphore, #tpu.memory_space<semaphore_mem>>)
      %dma_wait3A = tpu.memref_slice %arg2[%mul3A_2] : memref<2048xi32, #tpu.memory_space<hbm>> -> memref<64xi32, #tpu.memory_space<hbm>>
      %dma_wait3A_15 = tpu.memref_slice %arg2[%mul3A_2] : memref<2048xi32, #tpu.memory_space<hbm>> -> memref<64xi32, #tpu.memory_space<hbm>>
      tpu.wait_dma2 semaphore(%run_scoped3A : memref<!tpu.dma_semaphore, #tpu.memory_space<semaphore_mem>>) src(%dma_wait3A_15 : memref<64xi32, #tpu.memory_space<hbm>>) dst(%arg6 : memref<64xi32, #tpu.memory_space<vmem>>)
      tpu.yield
    }) : () -> ()
    %iota3A = tpu.iota {dimensions = array<i32: 0>} : vector<16xi32>
    %broadcast_in_dim3A = arith.constant 0xFF800000 : f32
    %broadcast_in_dim3A_3 = vector.broadcast %broadcast_in_dim3A : f32 to vector<16xf32>
    %broadcast_in_dim3A_4 = arith.constant 0 : i32
    %broadcast_in_dim3A_5 = vector.broadcast %broadcast_in_dim3A_4 : i32 to vector<16xi32>
    %broadcast_in_dim3A_6 = arith.constant 0 : i32
    %broadcast_in_dim3A_7 = vector.broadcast %broadcast_in_dim3A_6 : i32 to vector<16xi32>
    %scan3A = arith.constant 0 : i32
    %scan3A_8 = arith.constant 4 : i32
    %scan3A_9 = arith.addi %scan3A, %scan3A_8 : i32
    %scan3A_10 = arith.constant 1 : i32
    %scan3A_11 = scf.for %scan3A_14 = %scan3A to %scan3A_9 step %scan3A_10 iter_args(%scan3A_15 = %broadcast_in_dim3A_7) -> (vector<16xi32>)  : i32 {
      %mul3A_16 = arith.constant 16 : i32
      %mul3A_17 = arith.muli %scan3A_14, %mul3A_16 : i32
      %add3A_18 = arith.addi %mul3A_2, %mul3A_17 : i32
      "tpu.region"() ({
        %run_scoped3A = tpu.sem_alloc : memref<!tpu.dma_semaphore, #tpu.memory_space<semaphore_mem>>
        %dma_start3A = arith.constant 0 : i32
        %dma_start3A_46 = tpu.memref_slice %arg3[%add3A_18, %dma_start3A] : memref<2048x1000xf32, #tpu.memory_space<hbm>> -> memref<16x1000xf32, #tpu.memory_space<hbm>>
        %dma_start3A_47 = arith.constant 0 : i32
        %dma_start3A_48 = tpu.memref_slice %arg3[%add3A_18, %dma_start3A_47] : memref<2048x1000xf32, #tpu.memory_space<hbm>> -> memref<16x1000xf32, #tpu.memory_space<hbm>>
        tpu.enqueue_dma source(%dma_start3A_48 : memref<16x1000xf32, #tpu.memory_space<hbm>>) target(%arg5 : memref<16x1000xf32, #tpu.memory_space<vmem>>) target_semaphore(%run_scoped3A : memref<!tpu.dma_semaphore, #tpu.memory_space<semaphore_mem>>)
        %dma_wait3A = arith.constant 0 : i32
        %dma_wait3A_49 = tpu.memref_slice %arg3[%add3A_18, %dma_wait3A] : memref<2048x1000xf32, #tpu.memory_space<hbm>> -> memref<16x1000xf32, #tpu.memory_space<hbm>>
        %dma_wait3A_50 = arith.constant 0 : i32
        %dma_wait3A_51 = tpu.memref_slice %arg3[%add3A_18, %dma_wait3A_50] : memref<2048x1000xf32, #tpu.memory_space<hbm>> -> memref<16x1000xf32, #tpu.memory_space<hbm>>
        tpu.wait_dma2 semaphore(%run_scoped3A : memref<!tpu.dma_semaphore, #tpu.memory_space<semaphore_mem>>) src(%dma_wait3A_51 : memref<16x1000xf32, #tpu.memory_space<hbm>>) dst(%arg5 : memref<16x1000xf32, #tpu.memory_space<vmem>>)
        tpu.yield
      }) : () -> ()
      %parallel_loop3A = arith.constant 0 : i32
      %parallel_loop3A_19 = arith.constant 125 : i32
      %parallel_loop3A_20 = arith.constant 1 : i32
      %parallel_loop3A_21:8 = scf.for %parallel_loop3A_46 = %parallel_loop3A to %parallel_loop3A_19 step %parallel_loop3A_20 iter_args(%parallel_loop3A_47 = %broadcast_in_dim3A_3, %parallel_loop3A_48 = %broadcast_in_dim3A_3, %parallel_loop3A_49 = %broadcast_in_dim3A_3, %parallel_loop3A_50 = %broadcast_in_dim3A_3, %parallel_loop3A_51 = %broadcast_in_dim3A_5, %parallel_loop3A_52 = %broadcast_in_dim3A_5, %parallel_loop3A_53 = %broadcast_in_dim3A_5, %parallel_loop3A_54 = %broadcast_in_dim3A_5) -> (vector<16xf32>, vector<16xf32>, vector<16xf32>, vector<16xf32>, vector<16xi32>, vector<16xi32>, vector<16xi32>, vector<16xi32>)  : i32 {
        %parallel_loop3A_55 = arith.constant 2 : i32
        %parallel_loop3A_56 = arith.muli %parallel_loop3A_55, %parallel_loop3A_46 : i32
        %parallel_loop3A_57 = arith.constant 0 : i32
        %parallel_loop3A_58 = arith.addi %parallel_loop3A_56, %parallel_loop3A_57 : i32
        %parallel_loop3A_59 = vector.broadcast %parallel_loop3A_58 : i32 to vector<16xi32>
        %parallel_loop3A_60 = tpu.vector_load_idx %arg5[%iota3A, %parallel_loop3A_59] : memref<16x1000xf32, #tpu.memory_space<vmem>>[vector<16xi32>, vector<16xi32>], vector<16xf32>,
        %parallel_loop3A_61 = arith.constant 250 : i32
        %parallel_loop3A_62 = vector.broadcast %parallel_loop3A_61 : i32 to vector<16xi32>
        %parallel_loop3A_63 = arith.addi %parallel_loop3A_59, %parallel_loop3A_62 : vector<16xi32>
        %parallel_loop3A_64 = tpu.vector_load_idx %arg5[%iota3A, %parallel_loop3A_63] : memref<16x1000xf32, #tpu.memory_space<vmem>>[vector<16xi32>, vector<16xi32>], vector<16xf32>,
        %parallel_loop3A_65 = arith.constant 500 : i32
        %parallel_loop3A_66 = vector.broadcast %parallel_loop3A_65 : i32 to vector<16xi32>
        %parallel_loop3A_67 = arith.addi %parallel_loop3A_59, %parallel_loop3A_66 : vector<16xi32>
        %parallel_loop3A_68 = tpu.vector_load_idx %arg5[%iota3A, %parallel_loop3A_67] : memref<16x1000xf32, #tpu.memory_space<vmem>>[vector<16xi32>, vector<16xi32>], vector<16xf32>,
        %parallel_loop3A_69 = arith.constant 750 : i32
        %parallel_loop3A_70 = vector.broadcast %parallel_loop3A_69 : i32 to vector<16xi32>
        %parallel_loop3A_71 = arith.addi %parallel_loop3A_59, %parallel_loop3A_70 : vector<16xi32>
        %parallel_loop3A_72 = tpu.vector_load_idx %arg5[%iota3A, %parallel_loop3A_71] : memref<16x1000xf32, #tpu.memory_space<vmem>>[vector<16xi32>, vector<16xi32>], vector<16xf32>,
        %parallel_loop3A_73 = arith.cmpf ogt, %parallel_loop3A_60, %parallel_loop3A_47 : vector<16xf32>
        %parallel_loop3A_74 = arith.cmpf ogt, %parallel_loop3A_64, %parallel_loop3A_48 : vector<16xf32>
        %parallel_loop3A_75 = arith.cmpf ogt, %parallel_loop3A_68, %parallel_loop3A_49 : vector<16xf32>
        %parallel_loop3A_76 = arith.cmpf ogt, %parallel_loop3A_72, %parallel_loop3A_50 : vector<16xf32>
        %parallel_loop3A_77 = arith.select %parallel_loop3A_73, %parallel_loop3A_60, %parallel_loop3A_47 : vector<16xi1>, vector<16xf32>
        %parallel_loop3A_78 = arith.select %parallel_loop3A_74, %parallel_loop3A_64, %parallel_loop3A_48 : vector<16xi1>, vector<16xf32>
        %parallel_loop3A_79 = arith.select %parallel_loop3A_75, %parallel_loop3A_68, %parallel_loop3A_49 : vector<16xi1>, vector<16xf32>
        %parallel_loop3A_80 = arith.select %parallel_loop3A_76, %parallel_loop3A_72, %parallel_loop3A_50 : vector<16xi1>, vector<16xf32>
        %parallel_loop3A_81 = arith.select %parallel_loop3A_73, %parallel_loop3A_59, %parallel_loop3A_51 : vector<16xi1>, vector<16xi32>
        %parallel_loop3A_82 = arith.select %parallel_loop3A_74, %parallel_loop3A_59, %parallel_loop3A_52 : vector<16xi1>, vector<16xi32>
        %parallel_loop3A_83 = arith.select %parallel_loop3A_75, %parallel_loop3A_59, %parallel_loop3A_53 : vector<16xi1>, vector<16xi32>
        %parallel_loop3A_84 = arith.select %parallel_loop3A_76, %parallel_loop3A_59, %parallel_loop3A_54 : vector<16xi1>, vector<16xi32>
        %parallel_loop3A_85 = arith.constant 2 : i32
        %parallel_loop3A_86 = arith.muli %parallel_loop3A_85, %parallel_loop3A_46 : i32
        %parallel_loop3A_87 = arith.constant 1 : i32
        %parallel_loop3A_88 = arith.addi %parallel_loop3A_86, %parallel_loop3A_87 : i32
        %parallel_loop3A_89 = vector.broadcast %parallel_loop3A_88 : i32 to vector<16xi32>
        %parallel_loop3A_90 = tpu.vector_load_idx %arg5[%iota3A, %parallel_loop3A_89] : memref<16x1000xf32, #tpu.memory_space<vmem>>[vector<16xi32>, vector<16xi32>], vector<16xf32>,
        %parallel_loop3A_91 = arith.constant 250 : i32
        %parallel_loop3A_92 = vector.broadcast %parallel_loop3A_91 : i32 to vector<16xi32>
        %parallel_loop3A_93 = arith.addi %parallel_loop3A_89, %parallel_loop3A_92 : vector<16xi32>
        %parallel_loop3A_94 = tpu.vector_load_idx %arg5[%iota3A, %parallel_loop3A_93] : memref<16x1000xf32, #tpu.memory_space<vmem>>[vector<16xi32>, vector<16xi32>], vector<16xf32>,
        %parallel_loop3A_95 = arith.constant 500 : i32
        %parallel_loop3A_96 = vector.broadcast %parallel_loop3A_95 : i32 to vector<16xi32>
        %parallel_loop3A_97 = arith.addi %parallel_loop3A_89, %parallel_loop3A_96 : vector<16xi32>
        %parallel_loop3A_98 = tpu.vector_load_idx %arg5[%iota3A, %parallel_loop3A_97] : memref<16x1000xf32, #tpu.memory_space<vmem>>[vector<16xi32>, vector<16xi32>], vector<16xf32>,
        %parallel_loop3A_99 = arith.constant 750 : i32
        %parallel_loop3A_100 = vector.broadcast %parallel_loop3A_99 : i32 to vector<16xi32>
        %parallel_loop3A_101 = arith.addi %parallel_loop3A_89, %parallel_loop3A_100 : vector<16xi32>
        %parallel_loop3A_102 = tpu.vector_load_idx %arg5[%iota3A, %parallel_loop3A_101] : memref<16x1000xf32, #tpu.memory_space<vmem>>[vector<16xi32>, vector<16xi32>], vector<16xf32>,
        %parallel_loop3A_103 = arith.cmpf ogt, %parallel_loop3A_90, %parallel_loop3A_77 : vector<16xf32>
        %parallel_loop3A_104 = arith.cmpf ogt, %parallel_loop3A_94, %parallel_loop3A_78 : vector<16xf32>
        %parallel_loop3A_105 = arith.cmpf ogt, %parallel_loop3A_98, %parallel_loop3A_79 : vector<16xf32>
        %parallel_loop3A_106 = arith.cmpf ogt, %parallel_loop3A_102, %parallel_loop3A_80 : vector<16xf32>
        %parallel_loop3A_107 = arith.select %parallel_loop3A_103, %parallel_loop3A_90, %parallel_loop3A_77 : vector<16xi1>, vector<16xf32>
        %parallel_loop3A_108 = arith.select %parallel_loop3A_104, %parallel_loop3A_94, %parallel_loop3A_78 : vector<16xi1>, vector<16xf32>
        %parallel_loop3A_109 = arith.select %parallel_loop3A_105, %parallel_loop3A_98, %parallel_loop3A_79 : vector<16xi1>, vector<16xf32>
        %parallel_loop3A_110 = arith.select %parallel_loop3A_106, %parallel_loop3A_102, %parallel_loop3A_80 : vector<16xi1>, vector<16xf32>
        %parallel_loop3A_111 = arith.select %parallel_loop3A_103, %parallel_loop3A_89, %parallel_loop3A_81 : vector<16xi1>, vector<16xi32>
        %parallel_loop3A_112 = arith.select %parallel_loop3A_104, %parallel_loop3A_89, %parallel_loop3A_82 : vector<16xi1>, vector<16xi32>
        %parallel_loop3A_113 = arith.select %parallel_loop3A_105, %parallel_loop3A_89, %parallel_loop3A_83 : vector<16xi1>, vector<16xi32>
        %parallel_loop3A_114 = arith.select %parallel_loop3A_106, %parallel_loop3A_89, %parallel_loop3A_84 : vector<16xi1>, vector<16xi32>
        scf.yield %parallel_loop3A_107, %parallel_loop3A_108, %parallel_loop3A_109, %parallel_loop3A_110, %parallel_loop3A_111, %parallel_loop3A_112, %parallel_loop3A_113, %parallel_loop3A_114 : vector<16xf32>, vector<16xf32>, vector<16xf32>, vector<16xf32>, vector<16xi32>, vector<16xi32>, vector<16xi32>, vector<16xi32>
      } {sc.loop_unroll_factor = 4 : i64, sc.parallel_access}
      %gt3A = arith.cmpf ogt, %parallel_loop3A_21#1, %parallel_loop3A_21#0 : vector<16xf32>
      %select_n3A = arith.select %gt3A, %parallel_loop3A_21#1, %parallel_loop3A_21#0 : vector<16xi1>, vector<16xf32>
      %add3A_22 = arith.constant 250 : i32
      %add3A_23 = vector.broadcast %add3A_22 : i32 to vector<16xi32>
      %add3A_24 = arith.addi %parallel_loop3A_21#5, %add3A_23 : vector<16xi32>
      %select_n3A_25 = arith.select %gt3A, %add3A_24, %parallel_loop3A_21#4 : vector<16xi1>, vector<16xi32>
      %gt3A_26 = arith.cmpf ogt, %parallel_loop3A_21#2, %select_n3A : vector<16xf32>
      %select_n3A_27 = arith.select %gt3A_26, %parallel_loop3A_21#2, %select_n3A : vector<16xi1>, vector<16xf32>
      %add3A_28 = arith.constant 500 : i32
      %add3A_29 = vector.broadcast %add3A_28 : i32 to vector<16xi32>
      %add3A_30 = arith.addi %parallel_loop3A_21#6, %add3A_29 : vector<16xi32>
      %select_n3A_31 = arith.select %gt3A_26, %add3A_30, %select_n3A_25 : vector<16xi1>, vector<16xi32>
      %gt3A_32 = arith.cmpf ogt, %parallel_loop3A_21#3, %select_n3A_27 : vector<16xf32>
      %select_n3A_33 = arith.select %gt3A_32, %parallel_loop3A_21#3, %select_n3A_27 : vector<16xi1>, vector<16xf32>
      %add3A_34 = arith.constant 750 : i32
      %add3A_35 = vector.broadcast %add3A_34 : i32 to vector<16xi32>
      %add3A_36 = arith.addi %parallel_loop3A_21#7, %add3A_35 : vector<16xi32>
      %select_n3A_37 = arith.select %gt3A_32, %add3A_36, %select_n3A_31 : vector<16xi1>, vector<16xi32>
      %mul3A_38 = arith.constant 16 : i32
      %mul3A_39 = arith.muli %scan3A_14, %mul3A_38 : i32
      %get3A = arith.index_cast %mul3A_39 : i32 to index
      %get3A_40 = tpu.vector_load %arg6[%get3A] {strides = array<i32>} : memref<64xi32, #tpu.memory_space<vmem>>, vector<16xi32>,
      %eq3A = arith.cmpi eq, %select_n3A_37, %get3A_40 : vector<16xi32>
      %jit3A = arith.constant 1 : i32
      %jit3A_41 = arith.constant 0 : i32
      %broadcast_in_dim3A_42 = vector.broadcast %jit3A : i32 to vector<16xi32>
      %broadcast_in_dim3A_43 = vector.broadcast %jit3A_41 : i32 to vector<16xi32>
      %select_n3A_44 = arith.select %eq3A, %broadcast_in_dim3A_42, %broadcast_in_dim3A_43 : vector<16xi1>, vector<16xi32>
      %add3A_45 = arith.addi %scan3A_15, %select_n3A_44 : vector<16xi32>
      scf.yield %add3A_45 : vector<16xi32>
    }
    %scan3A_12 = arith.constant 4 : i32
    %convert_element_type3A = arith.sitofp %scan3A_11 : vector<16xi32> to vector<16xf32>
    %swap3A = arith.constant 0 : index
    %swap3A_13 = tpu.vector_load %arg7[%swap3A] {strides = array<i32>} : memref<16xf32, #tpu.memory_space<vmem>>, vector<16xf32>,
    tpu.vector_store %arg7[%swap3A], %convert_element_type3A {strides = array<i32>} : memref<16xf32, #tpu.memory_space<vmem>>, vector<16xf32>,
    "tpu.region"() ({
      %run_scoped3A = tpu.sem_alloc : memref<!tpu.dma_semaphore, #tpu.memory_space<semaphore_mem>>
      %dma_start3A = arith.constant 0 : i32
      %dma_start3A_14 = tpu.memref_slice %arg4[%add3A, %dma_start3A] : memref<32x16xf32, #tpu.memory_space<hbm>> -> memref<1x16xf32, #tpu.memory_space<hbm>>
      %dma_start3A_15 = tpu.memref_squeeze %dma_start3A_14 : memref<1x16xf32, #tpu.memory_space<hbm>> -> memref<16xf32, #tpu.memory_space<hbm>>
      %dma_start3A_16 = arith.constant 0 : i32
      %dma_start3A_17 = tpu.memref_slice %arg4[%add3A, %dma_start3A_16] : memref<32x16xf32, #tpu.memory_space<hbm>> -> memref<1x16xf32, #tpu.memory_space<hbm>>
      %dma_start3A_18 = tpu.memref_squeeze %dma_start3A_17 : memref<1x16xf32, #tpu.memory_space<hbm>> -> memref<16xf32, #tpu.memory_space<hbm>>
      tpu.enqueue_dma source(%arg7 : memref<16xf32, #tpu.memory_space<vmem>>) target(%dma_start3A_18 : memref<16xf32, #tpu.memory_space<hbm>>) target_semaphore(%run_scoped3A : memref<!tpu.dma_semaphore, #tpu.memory_space<semaphore_mem>>)
      %dma_wait3A = arith.constant 0 : i32
      %dma_wait3A_19 = tpu.memref_slice %arg4[%add3A, %dma_wait3A] : memref<32x16xf32, #tpu.memory_space<hbm>> -> memref<1x16xf32, #tpu.memory_space<hbm>>
      %dma_wait3A_20 = tpu.memref_squeeze %dma_wait3A_19 : memref<1x16xf32, #tpu.memory_space<hbm>> -> memref<16xf32, #tpu.memory_space<hbm>>
      %dma_wait3A_21 = arith.constant 0 : i32
      %dma_wait3A_22 = tpu.memref_slice %arg4[%add3A, %dma_wait3A_21] : memref<32x16xf32, #tpu.memory_space<hbm>> -> memref<1x16xf32, #tpu.memory_space<hbm>>
      %dma_wait3A_23 = tpu.memref_squeeze %dma_wait3A_22 : memref<1x16xf32, #tpu.memory_space<hbm>> -> memref<16xf32, #tpu.memory_space<hbm>>
      tpu.wait_dma2 semaphore(%run_scoped3A : memref<!tpu.dma_semaphore, #tpu.memory_space<semaphore_mem>>) src(%arg7 : memref<16xf32, #tpu.memory_space<vmem>>) dst(%dma_wait3A_23 : memref<16xf32, #tpu.memory_space<hbm>>)
      tpu.yield
    }) : () -> ()
    return
  }
}

module attributes {stable_mosaic.version = 14 : i64} {
  func.func @_tc_body(%arg0: i32, %arg1: memref<1x1x2048xi32, #tpu.memory_space<vmem>>, %arg2: memref<2048x1000xf32, #tpu.memory_space<vmem>>, %arg3: memref<1x1xf32, #tpu.memory_space<vmem>>) attributes {dimension_semantics = [#tpu.dimension_semantics<arbitrary>], iteration_bounds = array<i64: 7>, scalar_prefetch = 0 : i64, scratch_operands = 0 : i64, tpu.core_type = #tpu.core_type<tc>, window_params = [{transform_indices = @transform_0, window_bounds = array<i64: 1, 1, 2048>}, {transform_indices = @transform_1, window_bounds = array<i64: 2048, 1000>}, {pipeline_mode = #tpu.pipeline_mode<synchronous>, transform_indices = @transform_2, window_bounds = array<i64: 1, 1>}]} {
    %eq3A = arith.constant 0 : i32
    %eq3A_0 = arith.cmpi eq, %arg0, %eq3A : i32
    %convert_element_type3A = arith.extui %eq3A_0 : i1 to i32
    %cond3A = arith.constant 0 : i32
    %cond3A_1 = arith.cmpi ne, %convert_element_type3A, %cond3A : i32
    scf.if %cond3A_1 {
      %broadcast_in_dim3A_26 = arith.constant 0.000000e+00 : f32
      %broadcast_in_dim3A_27 = vector.broadcast %broadcast_in_dim3A_26 : f32 to vector<1x1xf32>
      %swap3A_28 = arith.constant 0 : index
      %swap3A_29 = arith.constant 0 : index
      %swap3A_30 = vector.load %arg3[%swap3A_28, %swap3A_29] : memref<1x1xf32, #tpu.memory_space<vmem>>, vector<1x1xf32>
      tpu.vector_store %arg3[%swap3A_28, %swap3A_29], %broadcast_in_dim3A_27 {strides = array<i32>} : memref<1x1xf32, #tpu.memory_space<vmem>>, vector<1x1xf32>,
    } else {
    }
    %get3A = arith.constant 0 : index
    %get3A_2 = arith.constant 0 : index
    %get3A_3 = vector.load %arg2[%get3A, %get3A_2] : memref<2048x1000xf32, #tpu.memory_space<vmem>>, vector<2048x1000xf32>
    %reduce_max3A = arith.constant dense<0xFF800000> : vector<2048xf32>
    %reduce_max3A_4 = vector.multi_reduction <maximumf>, %get3A_3, %reduce_max3A [1] : vector<2048x1000xf32> to vector<2048xf32>
    %broadcast_in_dim3A = vector.shape_cast %reduce_max3A_4 : vector<2048xf32> to vector<2048x1xf32>
    %iota3A = tpu.iota {dimensions = array<i32: 1>} : vector<2048x1000xi32>
    %eq3A_5 = vector.broadcast %broadcast_in_dim3A : vector<2048x1xf32> to vector<2048x1000xf32>
    %eq3A_6 = arith.cmpf oeq, %get3A_3, %eq3A_5 : vector<2048x1000xf32>
    %jit3A = arith.constant 1000 : i32
    %broadcast_in_dim3A_7 = vector.broadcast %jit3A : i32 to vector<2048x1000xi32>
    %select_n3A = arith.select %eq3A_6, %iota3A, %broadcast_in_dim3A_7 : vector<2048x1000xi1>, vector<2048x1000xi32>
    %reduce_min3A = arith.constant dense<2147483647> : vector<2048xi32>
    %reduce_min3A_8 = vector.multi_reduction <minsi>, %select_n3A, %reduce_min3A [1] : vector<2048x1000xi32> to vector<2048xi32>
    %get3A_9 = arith.constant 0 : index
    %get3A_10 = arith.constant 0 : index
    %get3A_11 = arith.constant 0 : index
    %get3A_12 = vector.load %arg1[%get3A_9, %get3A_10, %get3A_11] : memref<1x1x2048xi32, #tpu.memory_space<vmem>>, vector<1x1x2048xi32>
    %get3A_13 = vector.shape_cast %get3A_12 : vector<1x1x2048xi32> to vector<2048xi32>
    %eq3A_14 = arith.cmpi eq, %reduce_min3A_8, %get3A_13 : vector<2048xi32>
    %convert_element_type3A_15 = arith.extui %eq3A_14 : vector<2048xi1> to vector<2048xi32>
    %convert_element_type3A_16 = arith.sitofp %convert_element_type3A_15 : vector<2048xi32> to vector<2048xf32>
    %reduce_sum3A = vector.shape_cast %convert_element_type3A_16 : vector<2048xf32> to vector<1x2048xf32>
    %reduce_sum3A_17 = arith.constant dense<0.000000e+00> : vector<1xf32>
    %reduce_sum3A_18 = vector.multi_reduction <add>, %reduce_sum3A, %reduce_sum3A_17 [1] : vector<1x2048xf32> to vector<1xf32>
    %reduce_sum3A_19 = vector.shape_cast %reduce_sum3A_18 : vector<1xf32> to vector<1x1xf32>
    %reduce_sum3A_20 = vector.extract %reduce_sum3A_19[0, 0] : f32 from vector<1x1xf32>
    %reshape3A = vector.broadcast %reduce_sum3A_20 : f32 to vector<1x1xf32>
    %get3A_21 = arith.constant 0 : index
    %get3A_22 = arith.constant 0 : index
    %get3A_23 = vector.load %arg3[%get3A_21, %get3A_22] : memref<1x1xf32, #tpu.memory_space<vmem>>, vector<1x1xf32>
    %add3A = arith.addf %get3A_23, %reshape3A : vector<1x1xf32>
    %swap3A = arith.constant 0 : index
    %swap3A_24 = arith.constant 0 : index
    %swap3A_25 = vector.load %arg3[%swap3A, %swap3A_24] : memref<1x1xf32, #tpu.memory_space<vmem>>, vector<1x1xf32>
    tpu.vector_store %arg3[%swap3A, %swap3A_24], %add3A {strides = array<i32>} : memref<1x1xf32, #tpu.memory_space<vmem>>, vector<1x1xf32>,
    return
  }
  func.func @transform_0(%arg0: i32) -> (i32, i32, i32) {
    %c0_i32 = arith.constant 0 : i32
    %c0_i32_0 = arith.constant 0 : i32
    %c0_i32_1 = arith.constant 0 : i32
    return %arg0, %c0_i32, %c0_i32_0 : i32, i32, i32
  }
  func.func @transform_1(%arg0: i32) -> (i32, i32) {
    %c0_i32 = arith.constant 0 : i32
    %c0_i32_0 = arith.constant 0 : i32
    return %arg0, %c0_i32 : i32, i32
  }
  func.func @transform_2(%arg0: i32) -> (i32, i32) {
    %c0_i32 = arith.constant 0 : i32
    %c0_i32_0 = arith.constant 0 : i32
    %c0_i32_1 = arith.constant 0 : i32
    return %c0_i32, %c0_i32_0 : i32, i32
  }
}

</mosaic_0001>

<sc_bundles>
// kernel: kernel.4.cloned.1.call-start
scs
__scs_entry_jumppad:
0x0: {  	(pc) =	sbr.rel $0x88, $3  }
0x1: {  	(tag) =	ssettag $0x0;
	lr =	simm.s32 $0x1  }
0x2: {  	[smem:$0x3F9F] =	sst lr;
	_ =	strace $0xD0000000  }
0x3: {  	_ = 	snop  }
0x4: {  	_ = 	snop  }
0x5: {  	_ = 	snop  }
0x6: {  	_ = 	snop  }
0x7: {  	_ = 	snop  }
__scs_overlays_trampoline_lowered:
0x8: {  	[smem:$0x3FAE] =	sst s0  }
0x9: {  	[smem:$0x3FAF] =	sst s1  }
0xa: {  	[smem:$0x3FB0] =	sst s2  }
0xb: {  	[smem:$0x3FB1] =	sst s3  }
0xc: {  	[smem:$0x3FB2] =	sst s4  }
0xd: {  	[smem:$0x3FB3] =	sst s5  }
0xe: {  	[smem:$0x3FB4] =	sst s6  }
0xf: {  	[smem:$0x3FB5] =	sst s7  }
0x10: {  	[smem:$0x3FB6] =	sst s8  }
0x11: {  	[smem:$0x3FB7] =	sst s9;
	s0 =	simm.s32 @!p0 $0x0  }
0x12: {  	s1 =	sld [smem:$0x3F9D];
	s0 =	simm.s32 @p0 $0x1  }
0x13: {  	[smem:$0x3FB8] =	sst s0;
	s0 =	simm.s32 @!p1 $0x0  }
0x14: {  	s2 =	sld [smem:$0x3F9C];
	s0 =	simm.s32 @p1 $0x1  }
0x15: {  	[smem:$0x3FB9] =	sst s0;
	s0 =	simm.s32 @!p2 $0x0  }
0x16: {  	s3 =	sld [smem:$0x3FDB];
	s0 =	simm.s32 @p2 $0x1  }
0x17: {  	s4 =	simm.s32 $0x1BF5;
	[smem:$0x3FBB] =	sst s0  }
0x18: {  	s0 =	sld [smem:$0x3F9E];
	_ =	swait.ge [sflag:s4], $0x0  }
0x19: {  	s7 =	sld [smem:$0x3F9F]  }
0x1a: {  	s8 =	sadd.s32 $0xFFFFE003, lr  }
0x1b: {  	s9 =	sadd.s32 $0xFFFFFEF7, lr;
	s5 =	simm.s32 $0xFFFFFFFF;
	p2 =	slt.u32 s8, $0xFFFFF086  }
0x1c: {  	p1 =	slt.u32 s9, $0xF7A;
	s5 =	simm.s32 @!p2 $0x0  }
0x1d: {  	s5 =	simm.s32 @p1 $0x1;
	p0 =	seq.s32 s7, s2  }
0x1e: {  	s7 =	smul.u32 @!p0 $0xF7A, s2;
	p2 =	seq.s32 @!p0 s5, $0x0  }
0x1f: {  	s9 =	smul.u32 $0xF7A, s1;
	s8 =	simm.s32 @!p0 $0x1BF5;
	p2 =	por !p2, p0  }
0x20: {  	[sflag:s8] =	ssyncset.s32 @!p0 $0xFFFFF086;
	s6 =	sadd.s32 @!p0 s3, s7;
	s7 =	simm.s32 @!p0 $0x108  }
0x21: {  	s3 =	sadd.s32 s3, s9;
	s6 =	sadd.s32 @!p0 $0x88, s6;
	s7 =	simm.s32 @p2 $0x1082  }
0x22: {  	[simem:s7], [sflag:s8] =	dma.local @!p0 [hbm:s6], $0xF7A  }
0x23: {  	s9 =	sor.u32 $0xD0000000, s2;
	s6 =	simm.s32 $0x108;
	_ =	swait.ge @!p0 [sflag:s8], $0x0  }
0x24: {  	s3 =	sadd.s32 $0x88, s3;
	s6 =	simm.s32 @!p1 $0x1082;
	[sflag:s4] =	ssyncset.s32 $0xFFFFF086  }
0x25: {  	[simem:s6], [sflag:s4] =	dma.local [hbm:s3], $0xF7A  }
0x26: {  	[smem:$0x3F9F] =	sst s1;
	(tag) =	ssettag s2;
	_ =	strace s9  }
0x27: {  	s1 =	sld [smem:$0x3FAF]  }
0x28: {  	s2 =	sld [smem:$0x3FB0]  }
0x29: {  	s4 =	sld [smem:$0x3FB2]  }
0x2a: {  	p0 =	seq.s32 s5, $0x0;
	s5 =	sld [smem:$0x3FB3]  }
0x2b: {  	s6 =	sld [smem:$0x3FB4]  }
0x2c: {  	s7 =	sld [smem:$0x3FB5]  }
0x2d: {  	s3 =	simm.s32 $0x108;
	s8 =	sld [smem:$0x3FB6]  }
0x2e: {  	s3 =	simm.s32 @!p0 $0x1082;
	s9 =	sld [smem:$0x3FB7]  }
0x2f: {  	lr =	sadd.s32 s0, s3;
	s0 =	sld [smem:$0x3FAE]  }
0x30: {  	s3 =	sld [smem:$0x3FB1]  }
0x31: {  	[smem:$0x3FBA] =	sst s10  }
0x32: {  	s10 =	sld [smem:$0x3FB8];
	_ =	sdelay $0x3  }
0x33: {  	p0 =	seq.s32 s10, $0x1;
	s10 =	sld [smem:$0x3FBA];
	_ =	sdelay $0x3  }
0x34: {  	[smem:$0x3FBA] =	sst s10  }
0x35: {  	s10 =	sld [smem:$0x3FB9];
	_ =	sdelay $0x3  }
0x36: {  	p1 =	seq.s32 s10, $0x1;
	s10 =	sld [smem:$0x3FBA];
	_ =	sdelay $0x3  }
0x37: {  	[smem:$0x3FBA] =	sst s10  }
0x38: {  	s10 =	sld [smem:$0x3FBB]  }
0x39: {  	_ = 	snop;
	(pc) =	sbr.ind lr, $3  }
0x3a: {  	_ = 	snop  }
0x3b: {  	_ = 	snop  }
0x3c: {  	p2 =	seq.s32 s10, $0x1;
	s10 =	sld [smem:$0x3FBA]  }
0x3d: {  	_ =	shalt  }
0x3e: {  	_ =	shalt  }
0x3f: {  	_ =	shalt  }
0x40: {  	_ =	shalt  }
0x41: {  	_ =	shalt  }
0x42: {  	_ =	shalt  }
0x43: {  	_ =	shalt  }
0x44: {  	_ =	shalt  }
0x45: {  	_ =	shalt  }
0x46: {  	_ =	shalt  }
0x47: {  	_ =	shalt  }
0x48: {  	_ =	shalt  }
0x49: {  	_ =	shalt  }
0x4a: {  	_ =	shalt  }
0x4b: {  	_ =	shalt  }
0x4c: {  	_ =	shalt  }
0x4d: {  	_ =	shalt  }
0x4e: {  	_ =	shalt  }
0x4f: {  	_ =	shalt  }
0x50: {  	_ =	shalt  }
0x51: {  	_ =	shalt  }
0x52: {  	_ =	shalt  }
0x53: {  	_ =	shalt  }
0x54: {  	_ =	shalt  }
0x55: {  	_ =	shalt  }
0x56: {  	_ =	shalt  }
0x57: {  	_ =	shalt  }
0x58: {  	_ =	shalt  }
0x59: {  	_ =	shalt  }
0x5a: {  	_ =	shalt  }
0x5b: {  	_ =	shalt  }
0x5c: {  	_ =	shalt  }
0x5d: {  	_ =	shalt  }
0x5e: {  	_ =	shalt  }
0x5f: {  	_ =	shalt  }
0x60: {  	_ =	shalt  }
0x61: {  	_ =	shalt  }
0x62: {  	_ =	shalt  }
0x63: {  	_ =	shalt  }
0x64: {  	_ =	shalt  }
0x65: {  	_ =	shalt  }
0x66: {  	_ =	shalt  }
0x67: {  	_ =	shalt  }
0x68: {  	_ =	shalt  }
0x69: {  	_ =	shalt  }
0x6a: {  	_ =	shalt  }
0x6b: {  	_ =	shalt  }
0x6c: {  	_ =	shalt  }
0x6d: {  	_ =	shalt  }
0x6e: {  	_ =	shalt  }
0x6f: {  	_ =	shalt  }
0x70: {  	_ =	shalt  }
0x71: {  	_ =	shalt  }
0x72: {  	_ =	shalt  }
0x73: {  	_ =	shalt  }
0x74: {  	_ =	shalt  }
0x75: {  	_ =	shalt  }
0x76: {  	_ =	shalt  }
0x77: {  	_ =	shalt  }
0x78: {  	_ =	shalt  }
0x79: {  	_ =	shalt  }
0x7a: {  	_ =	shalt  }
0x7b: {  	_ =	shalt  }
0x7c: {  	_ =	shalt  }
0x7d: {  	_ =	shalt  }
0x7e: {  	_ =	shalt  }
0x7f: {  	_ =	shalt  }
0x80: {  	_ =	shalt  }
0x81: {  	_ =	shalt  }
0x82: {  	_ =	shalt  }
0x83: {  	_ =	shalt  }
0x84: {  	_ =	shalt  }
0x85: {  	_ =	shalt  }
0x86: {  	_ =	shalt  }
0x87: {  	_ =	shalt  }
.Lfunc_end0:
.L_simem_size_0:
called_computation_lowered:
.L_overlay_start_0:
0x88: {  	s2 =	sld [smem:$0x3FD9]  }
0x89: {  	s3 =	sld [smem:$0x3FFE];
	_ =	sdelay $0x1  }
0x8a: {  	s1 =	srdreg.scid  }
0x8b: {  	s0 =	sand.u32 $0x1, s1  }
0x8c: {  	s16 =	sshll.u32 s0, $0xA;
	s2 =	sadd.s32 s3, s2  }
0x8d: {  	s2 =	sadd.s32 s2, s16  }
0x8e: {  	[smem:$0x3FC6] =	sst s2  }
0x8f: {  	_ = 	snop  }
0x90: {  	(tm) =	ssettm $0x1  }
0x91: {  	s17 =	sld [smem:$0x3FFB];
	_ =	sdelay $0x3  }
0x92: {  	_ =	strace s17  }
0x93: {  	s2 =	sld [smem:$0x3FFC];
	_ =	sdelay $0x3  }
0x94: {  	_ =	strace s2  }
0x95: {  	s2 =	sld [smem:$0x3FFD];
	_ =	sdelay $0x3  }
0x96: {  	_ =	strace s2  }
0x97: {  	_ =	strace $0x8FFFFFFF  }
0x98: {  	s18 =	sld [smem:$0x3FDB];
	_ =	sdelay $0x1  }
0x99: {  	s19 =	simm.s32 $_scs_section_size  }
0x9a: {  	s4 =	simm.s32 $_size__tile_overlayer_lowered;
	s5 =	simm.s32 $_tile_overlayer_lowered  }
0x9b: {  	s22 =	simm.s32 $0x1BFF;
	s21 =	sshll.u32 s5, $0x1;
	s2 =	sadd.s32 s19, s18  }
0x9c: {  	s6 =	simm.s32 $0x0;
	s20 =	sshll.u32 s4, $0x1;
	s4 =	sadd.s32 s21, s2  }
0x9d: {  	[timem:s6], [sflag:s22] =	dma.local [hbm:s4], s20  }
0x9e: {  	_ =	swait.ge [sflag:s22], s20  }
0x9f: {  	s3 =	ssub.s32 $0x0, s20;
	[sflag:s22] =	ssyncset.done $0x0  }
0xa0: {  	[sflag:s22] =	ssyncadd.s32 s3;
	_ =	sdelay $0x1  }
0xa1: {  	s23 =	simm.s32 $0x1B8B  }
0xa2: {  	_ =	swait.ge [sflag:s23], $0x1  }
0xa3: {  	[sflag:s23] =	ssyncset.done $0x0  }
0xa4: {  	s25 =	simm.s32 $0x1B8E;
	s24 =	sld [smem:$0x3FFE];
	[sflag:s23] =	ssyncadd.s32 $0xFFFFFFFF  }
0xa5: {  	s26 =	simm.s32 $execute0_lowered;
	[smem:$0x3FD2] =	sst s25  }
0xa6: {  	s4 =	sshll.u32 s26, $0x1;
	_ =	strace $0x80000046;
	[dreg:$0x1] =	wrdreg $0xFFFFFFFF  }
0xa7: {  	s28 =	simm.s32 $_size_execute0_lowered;
	s2 =	sadd.s32 s2, s4;
	[dreg:$0x0] =	wrdreg $0x0  }
0xa8: {  	s4 =	sshll.u32 s28, $0x1;
	[dreg:$0x2] =	wrdreg s2  }
0xa9: {  	[dreg:$0x3] =	wrdreg s4  }
0xaa: {  	[dreg:$0x4] =	wrdreg $0xC0  }
0xab: {  	_ =	task [dreg:s6], $0x5FFFF  }
0xac: {  	[dreg:$0x1] =	wrdreg $0xFFFFFFFF  }
0xad: {  	[dreg:$0x0] =	wrdreg $0x60  }
0xae: {  	[dreg:$0x2] =	wrdreg s24  }
0xaf: {  	[dreg:$0x3] =	wrdreg $0x9  }
0xb0: {  	_ =	task.clear_ibuf [dreg:s6], $0x4FFFF;
	_ =	strace $0x90000046  }
0xb1: {  	s29 =	simm.s32 $0x9;
	_ =	strace $0x80000048  }
0xb2: {  	_ =	swait.ge [sflag:s29], $0x1  }
0xb3: {  	[sflag:s29] =	ssyncadd.s32 $0xFFFFFFFF  }
0xb4: {  	_ =	strace $0x90000048  }
0xb5: {  	_ =	sfence  }
0xb6: {  	s30 =	sld [smem:$0x0];
	_ =	sdelay $0x2  }
0xb7: {  	s31 =	sshll.u32 s1, $0xD;
	s1 =	sshrl.u32 s1, $0x2  }
0xb8: {  	s3 =	sand.u32 $0x4000, s31;
	s1 =	sadd.s32 s1, s30  }
0xb9: {  	s0 =	sor.u32 s3, s0;
	s1 =	sshll.u32 s1, $0x11  }
0xba: {  	s0 =	sor.u32 s1, s0  }
0xbb: {  	s0 =	sadd.s32 $0x8F2B, s0  }
0xbc: {  	[sflag:s0] =	ssyncadd.remote.s32 $0x1  }
0xbd: {  	_ =	sfence.sel $0xFFFF  }
0xbe: {  	[dreg:$0x0] =	wrdreg $0xFFFFFFFF;
	(pc) =	sbr.abs _section_cstart, $3  }
0xbf: {  	[dreg:$0x1] =	wrdreg $0xFFFFFFFF  }
0xc0: {  	_ =	task.clear_ibuf [dreg:s6], $0x2FFFF;
	_ =	strace $0x9FFFFFFF  }
0xc1: {  	(tm) =	ssettm $0x7FFFFFFF  }
tec
execute0_lowered:
.L_overlay_start_1:
0x0: {  	(tag) =	ssettag $0x1  }
0x1: {  	s4 =	rddreg [dreg:$0x0]  }
0x2: {  	s0 =	rddreg [dreg:$0x1]  }
0x3: {  	s3 =	srdreg.scid;
	s1 =	stileid.u32;
	s2 =	simm.s32 $0x0  }
0x4: {  	v0 =	vlaneseq.u32;
	s9 =	simm.s32 $0x1;
	s10 =	simm.s32 $0x3EC0;
	s11 =	simm.s32 $0x0  }
0x5: {  	s3 =	sand.u32 $0x1, s3;
	s5 =	sshll.u32 s1, $0x1;
	[smem:$0x7FF] =	sst s2;
	v0 =	vmul.u32 $0x3E8, v0  }
0x6: {  	s5 =	sor.u32 s3, s5;
	_ =	strace $0x80000047;
	s8 =	ssub.s32 $0x2, s3  }
0x7: {  	v12 =	vimm.s32 $0x0;
	s3 =	sadd.s32 $0x200400, s4;
	s6 =	sshll.u32 s5, $0x3;
	s7 =	sshll.u32 s5, $0x1;
	v1 =	vadd.s32 $0xFA, v0;
	v2 =	vadd.s32 $0x1F4, v0  }
0x8: {  	s31 =	sshrl.u32 s8, $0x1;
	v3 =	vadd.s32 $0x2EE, v0;
	v4 =	vor.u32 $0x1, v0;
	v5 =	vor.u32 $0x3, v0;
	s6 =	sadd.s32 s6, s4;
	s7 =	sadd.s32 s7, s4  }
0x9: {  	v6 =	vor.u32 $0x5, v0;
	v7 =	vor.u32 $0x7, v0;
	v8 =	vor.u32 $0x2, v0;
	s8 =	ssub.s32 s8, s31;
	s4 =	sshll.u32 s5, $0x6;
	s5 =	sadd.s32 $0x200, s6  }
0xa: {  	v9 =	vor.u32 $0x4, v0;
	v10 =	vor.u32 $0x6, v0;
	v11 =	vadd.s32 $0xFE, v0;
	s6 =	sadd.s32 $0x23EC00, s7;
	s7 =	smax.u32 s8, $0x1;
	s8 =	simm.s32 $0x3E80  }
.LBB2_1:
0xb: {  	[tilespmem:s8], [sflag:$0x1] =	stream.linear.gather [hbm4b:s5+s2], $0x40, $0x38;
	[tilespmem:$0x3ED0] =	vst v63  }
0xc: {  	_ =	swait.ge [sflag:s9], $0x40  }
0xd: {  	[sflag:s9] =	ssyncset.done $0x0  }
0xe: {  	v13 =	vimm.s32 $0x0;
	s12 =	simm.s32 $0x0;
	[sflag:s9] =	ssyncadd.s32 $0xFFFFFFC0  }
.LBB2_2:
0xf: {  	s21 =	simm.s32 $0x0;
	v17 =	vimm.f32 $-Inf  }
0x10: {  	v16 =	vimm.s32 $0x0;
	s20 =	simm.s32 $0x1;
	v14 =	vadd.s32 s21, v3;
	v15 =	vadd.s32 s21, v2  }
0x11: {  	s16 =	simm.s32 $0x3;
	s19 =	simm.s32 $0x2;
	v18 =	vadd.s32 s21, v0;
	v19 =	vadd.s32 s21, v1;
	v20 =	vmov s20  }
0x12: {  	s15 =	simm.s32 $0x5;
	s17 =	simm.s32 $0x4;
	v24 =	vmov s16;
	v27 =	vadd.s32 s19, v3;
	v29 =	vmov s19  }
0x13: {  	s13 =	sshll.u32 s12, $0x4;
	s18 =	simm.s32 $0x7;
	v31 =	vmov s15;
	v32 =	vadd.s32 s17, v3;
	v41 =	vmov s17  }
0x14: {  	s14 =	sadd.s32 s4, s13;
	v43 =	vmov s18;
	v44 =	vadd.s32 s17, v2;
	v21 =	vadd.s32 $0xFA, v20  }
0x15: {  	s14 =	smul.u32 $0x7D, s14;
	v22 =	vadd.s32 $0x1F4, v20;
	v23 =	vand.u32 $0xF8, v20;
	v20 =	vadd.s32 $0x2EE, v20  }
0x16: {  	v26 =	vand.u32 $0xF8, v24;
	v33 =	vadd.s32 $0x2EE, v31;
	v35 =	vadd.s32 $0x1F4, v29  }
0x17: {  	v36 =	vadd.s32 $0x1F4, v24;
	v37 =	vand.u32 $0xF8, v31;
	v40 =	vand.u32 $0xF8, v29;
	s14 =	sadd.s32 s3, s14  }
0x18: {  	v29 =	vadd.s32 $0xFA, v29;
	v41 =	vand.u32 $0xF8, v41;
	v47 =	vadd.s32 $0x2EE, v43;
	[tilespmem:s21], [sflag:$0x1] =	stream.linear.gather [hbm4b:s14+s21], $0x3E80, $0x38;
	[tilespmem:$0x3ED0] =	vst v63  }
0x19: {  	v52 =	vadd.s32 $0xFA, v43;
	v53 =	vadd.s32 $0xFA, v24;
	v24 =	vadd.s32 $0x2EE, v24;
	_ =	swait.ge [sflag:s9], $0x3E80  }
0x1a: {  	v21 =	vand.u32 $0x1F8, v21;
	v23 =	vadd.s32 v4, v23;
	v22 =	vand.u32 $0x3F8, v22;
	[sflag:s9] =	ssyncset.done $0x0  }
0x1b: {  	v33 =	vand.u32 $0x3F8, v33;
	v20 =	vand.u32 $0x3F8, v20;
	v26 =	vadd.s32 v5, v26;
	[sflag:s9] =	ssyncadd.s32 $0xFFFFC180  }
0x1c: {  	v35 =	vand.u32 $0x3F8, v35;
	v45 =	vadd.s32 v9, v41;
	v37 =	vadd.s32 v6, v37;
	v14 =	vld.idx.msk [tilespmem:v14+s2+$0x0], $0xffff  }
0x1d: {  	v40 =	vadd.s32 v8, v40;
	v56 =	vadd.s32 v11, v41;
	v22 =	vadd.s32 v6, v22;
	s14 =	simm.s32 $0x6;
	v15 =	vld.idx.msk [tilespmem:v15+s2+$0x0], $0xffff  }
0x1e: {  	v21 =	vadd.s32 v5, v21;
	v33 =	vadd.s32 v5, v33;
	v25 =	vmov s14  }
0x1f: {  	v28 =	vadd.s32 $0x2EE, v25;
	v30 =	vadd.s32 $0x1F4, v25;
	v25 =	vand.u32 $0xF8, v25  }
0x20: {  	v20 =	vadd.s32 v7, v20;
	v28 =	vand.u32 $0x3F8, v28;
	v25 =	vadd.s32 v10, v25;
	v18 =	vld.idx.msk [tilespmem:v18+s2+$0x0], $0xffff  }
0x21: {  	v30 =	vand.u32 $0x3F8, v30;
	v28 =	vadd.s32 v9, v28;
	v50 =	vld.idx.msk [tilespmem:v19+s2+$0x0], $0xffff;
	v19 =	vand.u32 $0x1F8, v53  }
0x22: {  	v22 =	vld.idx.msk [tilespmem:v22+s2+$0x0], $0xffff;
	v30 =	vadd.s32 v8, v30;
	vm0 =	vgt.f32 v14, v17;
	vm1 =	vgt.f32 v15, v17  }
0x23: {  	v34 =	vsel vm1, s21, v16;
	v38 =	vsel vm0, v14, v17;
	v14 =	vadd.s32 $0x1F4, v31  }
0x24: {  	v23 =	vld.idx.msk [tilespmem:v23+s2+$0x0], $0xffff;
	v39 =	vsel vm0, s21, v16;
	v48 =	vsel vm1, v15, v17;
	v15 =	vand.u32 $0x1F8, v29  }
0x25: {  	v29 =	vadd.s32 v10, v35;
	vm0 =	vgt.f32 v18, v17;
	v31 =	vadd.s32 $0xFA, v31  }
0x26: {  	v35 =	vadd.s32 v6, v19;
	v14 =	vand.u32 $0x3F8, v14;
	v49 =	vadd.s32 v9, v15  }
0x27: {  	v15 =	vand.u32 $0x1F8, v52;
	v18 =	vsel vm0, v18, v17;
	vm2 =	vgt.f32 v22, v48  }
0x28: {  	v40 =	vld.idx.msk [tilespmem:v40+s2+$0x0], $0xffff;
	v19 =	vand.u32 $0x1F8, v31;
	v42 =	vadd.s32 v4, v14;
	v14 =	vadd.s32 $0x1F4, v43  }
0x29: {  	v21 =	vld.idx.msk [tilespmem:v21+s2+$0x0], $0xffff;
	v43 =	vand.u32 $0xF8, v43;
	v15 =	vadd.s32 v4, v15;
	vm1 =	vgt.f32 v23, v18  }
0x2a: {  	v22 =	vsel vm2, v22, v48;
	v34 =	vsel vm2, s20, v34;
	v18 =	vsel vm1, v23, v18;
	v23 =	vld.idx.msk [tilespmem:v26+s2+$0x0], $0xffff  }
0x2b: {  	v20 =	vld.idx.msk [tilespmem:v20+s2+$0x0], $0xffff;
	v54 =	vadd.s32 v7, v19;
	v19 =	vand.u32 $0x3F8, v24;
	v24 =	vsel vm0, s21, v16  }
0x2c: {  	v37 =	vld.idx.msk [tilespmem:v37+s2+$0x0], $0xffff;
	v14 =	vand.u32 $0x3F8, v14;
	v26 =	vand.u32 $0x3F8, v36;
	v55 =	vadd.s32 v4, v19  }
0x2d: {  	v31 =	vld.idx.msk [tilespmem:v45+s2+$0x0], $0xffff;
	v19 =	vsel vm1, s20, v24;
	vm1 =	vgt.f32 v50, v17;
	vm2 =	vgt.f32 v40, v18  }
0x2e: {  	v59 =	vld.idx.msk [tilespmem:v44+s2+$0x0], $0xffff;
	v46 =	vadd.s32 v5, v14;
	v14 =	vadd.s32 s14, v1;
	v18 =	vsel vm2, v40, v18  }
0x2f: {  	v24 =	vadd.s32 v7, v26;
	v17 =	vsel vm1, v50, v17;
	v29 =	vld.idx.msk [tilespmem:v29+s2+$0x0], $0xffff;
	vm0 =	vgt.f32 v23, v18  }
0x30: {  	v16 =	vsel vm1, s21, v16;
	vm1 =	vgt.f32 v20, v38;
	v18 =	vsel vm0, v23, v18;
	v23 =	vld.idx.msk [tilespmem:v27+s2+$0x0], $0xffff  }
0x31: {  	v26 =	vsel vm2, s19, v19;
	v19 =	vadd.s32 v7, v43;
	vm3 =	vgt.f32 v21, v17;
	v58 =	vld.idx.msk [tilespmem:v49+s2+$0x0], $0xffff  }
0x32: {  	v20 =	vsel vm1, v20, v38;
	v17 =	vsel vm3, v21, v17;
	v57 =	vld.idx.msk [tilespmem:v55+s2+$0x0], $0xffff;
	vm2 =	vgt.f32 v31, v18  }
0x33: {  	v16 =	vsel vm3, s20, v16;
	v27 =	vld.idx.msk [tilespmem:v32+s2+$0x0], $0xffff;
	v31 =	vsel vm2, v31, v18;
	v18 =	vand.u32 $0x3F8, v47  }
0x34: {  	v26 =	vsel vm0, s16, v26;
	v24 =	vld.idx.msk [tilespmem:v24+s2+$0x0], $0xffff;
	vm4 =	vgt.f32 v29, v22;
	v21 =	vadd.s32 v6, v18  }
0x35: {  	v28 =	vld.idx.msk [tilespmem:v28+s2+$0x0], $0xffff;
	v22 =	vsel vm4, v29, v22;
	vm0 =	vgt.f32 v37, v31;
	vm5 =	vgt.f32 v23, v20  }
0x36: {  	v29 =	vld.idx.msk [tilespmem:v33+s2+$0x0], $0xffff;
	v18 =	vsel vm2, s17, v26;
	v26 =	vsel vm1, s20, v39;
	v20 =	vsel vm5, v23, v20  }
0x37: {  	v60 =	vld.idx.msk [tilespmem:v35+s2+$0x0], $0xffff;
	vm2 =	vgt.f32 v58, v17;
	v26 =	vsel vm5, s19, v26;
	vm1 =	vgt.f32 v57, v20  }
0x38: {  	v62 =	vld.idx.msk [tilespmem:v42+s2+$0x0], $0xffff;
	v23 =	vsel vm4, s19, v34;
	v20 =	vsel vm1, v57, v20;
	v61 =	vsel vm1, s16, v26  }
0x39: {  	vm1 =	vgt.f32 v24, v22;
	v26 =	vsel vm0, v37, v31;
	v31 =	vld.idx.msk [tilespmem:v21+s2+$0x0], $0xffff;
	vm3 =	vgt.f32 v27, v20  }
0x3a: {  	v21 =	vld.idx.msk [tilespmem:v30+s2+$0x0], $0xffff;
	v30 =	vsel vm2, v58, v17;
	v22 =	vsel vm1, v24, v22;
	v20 =	vsel vm3, v27, v20  }
0x3b: {  	v24 =	vsel vm2, s19, v16;
	v27 =	vsel vm3, s17, v61;
	vm3 =	vgt.f32 v29, v20  }
0x3c: {  	v17 =	vld.idx.msk [tilespmem:v56+s2+$0x0], $0xffff;
	vm2 =	vgt.f32 v60, v30;
	v63 =	vsel vm1, s16, v23;
	v16 =	vsel vm3, v29, v20  }
0x3d: {  	vm4 =	vgt.f32 v59, v22;
	v20 =	vsel vm3, s15, v27;
	vm3 =	vgt.f32 v28, v16  }
0x3e: {  	v27 =	vsel vm4, v59, v22;
	v16 =	vsel vm3, v28, v16;
	v23 =	vsel vm3, s14, v20  }
0x3f: {  	v28 =	vld.idx.msk [tilespmem:v25+s2+$0x0], $0xffff;
	v20 =	vsel vm2, v60, v30;
	vm3 =	vgt.f32 v62, v27;
	vm1 =	vgt.f32 v31, v16  }
0x40: {  	v22 =	vld.idx.msk [tilespmem:v46+s2+$0x0], $0xffff;
	v29 =	vsel vm3, v62, v27;
	v27 =	vsel vm4, s17, v63;
	v25 =	vsel vm1, v31, v16  }
0x41: {  	s20 =	simm.s32 $0x8;
	s19 =	simm.s32 $0x0;
	v23 =	vsel vm1, s18, v23;
	v16 =	vld.idx.msk [tilespmem:v54+s2+$0x0], $0xffff;
	vm1 =	vgt.f32 v17, v20;
	vm4 =	vgt.f32 v21, v29  }
.LBB2_3:
0x42: {  	v33 =	vadd.s32 s20, v0;
	v30 =	vadd.s32 s20, v1;
	v31 =	vadd.s32 s20, v3;
	s22 =	sadd.s32 $0x1, s20;
	s21 =	sadd.s32 $0x3, s20;
	s24 =	sadd.s32 $0x6, s20  }
0x43: {  	v32 =	vadd.s32 s20, v2;
	s23 =	sadd.s32 $0x7, s20;
	s19 =	sadd.s32 $0x4, s19;
	v24 =	vsel vm2, s16, v24;
	v35 =	vmov s22;
	s16 =	smov.u32 s21  }
0x44: {  	vm2 =	vgt.f32 v28, v26;
	p0 =	slt.u32 s19, $0x78;
	v34 =	vadd.s32 $0xFA, v35;
	v36 =	vadd.s32 $0x1F4, v35  }
0x45: {  	s21 =	sadd.s32 $0x2, s20;
	v37 =	vand.u32 $0xF8, v35;
	v38 =	vand.u32 $0x1F8, v34;
	v34 =	vmov s16  }
0x46: {  	v28 =	vsel vm2, v28, v26;
	v35 =	vadd.s32 $0x2EE, v35;
	v37 =	vadd.s32 v4, v37  }
0x47: {  	v39 =	vmov s24;
	v26 =	vand.u32 $0x3F8, v36;
	v36 =	vand.u32 $0xF8, v34;
	v31 =	vld.idx.msk [tilespmem:v31+s2+$0x0], $0xffff  }
0x48: {  	v21 =	vsel vm4, v21, v29;
	v41 =	vadd.s32 $0x2EE, v39;
	v40 =	vld.idx.msk [tilespmem:v32+s2+$0x0], $0xffff;
	v32 =	vadd.s32 s21, v3  }
0x49: {  	v27 =	vsel vm3, s15, v27;
	v42 =	vmov s21;
	v29 =	vand.u32 $0x3F8, v41;
	v19 =	vld.idx.msk [tilespmem:v19+s2+$0x0], $0xffff  }
0x4a: {  	v43 =	vadd.s32 $0x1F4, v39;
	v41 =	vadd.s32 v6, v26;
	v26 =	vsel vm4, s14, v27  }
0x4b: {  	s26 =	sadd.s32 $0x4, s20;
	s25 =	sadd.s32 $0x5, s20;
	vm3 =	vgt.f32 v22, v21;
	v38 =	vadd.s32 v5, v38;
	v44 =	vadd.s32 v9, v29;
	v37 =	vld.idx.msk [tilespmem:v37+s2+$0x0], $0xffff  }
0x4c: {  	v45 =	vmov s25;
	v29 =	vadd.s32 s26, v3;
	v27 =	vsel vm3, s18, v26;
	v30 =	vld.idx.msk [tilespmem:v30+s2+$0x0], $0xffff  }
0x4d: {  	v46 =	vadd.s32 $0x2EE, v45;
	v21 =	vsel vm3, v22, v21;
	vm5 =	vgt.f32 v31, v25  }
0x4e: {  	v22 =	vand.u32 $0x3F8, v35;
	vm4 =	vgt.f32 v40, v21;
	v26 =	vld.idx.msk [tilespmem:v32+s2+$0x0], $0xffff;
	v32 =	vand.u32 $0x3F8, v46  }
0x4f: {  	v35 =	vsel vm4, s20, v27;
	vm3 =	vgt.f32 v19, v28;
	v27 =	vadd.s32 v5, v32  }
0x50: {  	v48 =	vand.u32 $0xF8, v45;
	v47 =	vadd.s32 $0x1F4, v34;
	v46 =	vadd.s32 $0x1F4, v42  }
0x51: {  	v49 =	vadd.s32 $0x1F4, v45;
	v32 =	vsel vm5, v31, v25;
	v19 =	vsel vm3, v19, v28  }
0x52: {  	v31 =	vsel vm5, s20, v23;
	v28 =	vand.u32 $0xF8, v42;
	v23 =	vand.u32 $0x3F8, v49;
	v25 =	vld.idx.msk [tilespmem:v29+s2+$0x0], $0xffff  }
0x53: {  	v36 =	vadd.s32 v5, v36;
	v49 =	vmov s26;
	v29 =	vadd.s32 v4, v23;
	v23 =	vld.idx.msk [tilespmem:v44+s2+$0x0], $0xffff  }
0x54: {  	v42 =	vadd.s32 $0xFA, v42;
	v44 =	vand.u32 $0xF8, v49;
	v49 =	vmov s23  }
0x55: {  	v18 =	vsel vm0, s15, v18;
	v51 =	vadd.s32 $0x1F4, v49;
	v50 =	vld.idx.msk [tilespmem:v33+s2+$0x0], $0xffff;
	v33 =	vadd.s32 s26, v2  }
0x56: {  	v46 =	vand.u32 $0x3F8, v46;
	v52 =	vadd.s32 v9, v44;
	v51 =	vand.u32 $0x3F8, v51;
	v41 =	vld.idx.msk [tilespmem:v41+s2+$0x0], $0xffff  }
0x57: {  	v48 =	vadd.s32 v6, v48;
	v53 =	vadd.s32 $0x2EE, v49;
	v51 =	vadd.s32 v5, v51;
	v38 =	vld.idx.msk [tilespmem:v38+s2+$0x0], $0xffff  }
0x58: {  	v18 =	vsel vm2, s14, v18;
	v21 =	vsel vm4, v40, v21;
	v40 =	vadd.s32 s24, v1  }
0x59: {  	v42 =	vand.u32 $0x1F8, v42;
	v46 =	vadd.s32 v10, v46;
	v54 =	vadd.s32 $0xFA, v49;
	v36 =	vld.idx.msk [tilespmem:v36+s2+$0x0], $0xffff  }
0x5a: {  	v42 =	vadd.s32 v9, v42;
	v49 =	vand.u32 $0xF8, v49;
	v54 =	vand.u32 $0x1F8, v54;
	v33 =	vld.idx.msk [tilespmem:v33+s2+$0x0], $0xffff  }
0x5b: {  	v39 =	vand.u32 $0xF8, v39;
	v28 =	vadd.s32 v8, v28;
	v54 =	vadd.s32 v4, v54;
	v52 =	vld.idx.msk [tilespmem:v52+s2+$0x0], $0xffff  }
0x5c: {  	v39 =	vadd.s32 v10, v39;
	v55 =	vadd.s32 $0xFA, v34;
	vm0 =	vgt.f32 v50, v19  }
0x5d: {  	v43 =	vand.u32 $0x3F8, v43;
	v19 =	vsel vm0, v50, v19;
	v50 =	vand.u32 $0x1F8, v55  }
0x5e: {  	v43 =	vadd.s32 v8, v43;
	v18 =	vsel vm3, s18, v18;
	vm2 =	vgt.f32 v37, v19  }
0x5f: {  	v45 =	vadd.s32 $0xFA, v45;
	v19 =	vsel vm2, v37, v19;
	v37 =	vand.u32 $0x3F8, v47;
	v47 =	vld.idx.msk [tilespmem:v14+s2+$0x0], $0xffff;
	v14 =	vmovc v40  }
0x60: {  	vm3 =	vgt.f32 v41, v21;
	v50 =	vadd.s32 v6, v50;
	v40 =	vld.idx.msk [tilespmem:v28+s2+$0x0], $0xffff;
	v28 =	vand.u32 $0x1F8, v45  }
0x61: {  	v41 =	vsel vm3, v41, v21;
	v35 =	vsel vm3, s22, v35;
	v21 =	vadd.s32 $0x2EE, v34;
	v34 =	vld.idx.msk [tilespmem:v15+s2+$0x0], $0xffff;
	v15 =	vmovc v54  }
0x62: {  	v17 =	vsel vm1, v17, v20;
	v22 =	vadd.s32 v7, v22;
	v45 =	vld.idx.msk [tilespmem:v46+s2+$0x0], $0xffff;
	v46 =	vadd.s32 v7, v28  }
0x63: {  	v18 =	vsel vm0, s20, v18;
	vm0 =	vgt.f32 v16, v17;
	v20 =	vand.u32 $0x3F8, v21;
	v21 =	vld.idx.msk [tilespmem:v43+s2+$0x0], $0xffff  }
0x64: {  	v16 =	vsel vm0, v16, v17;
	v18 =	vsel vm2, s22, v18;
	v20 =	vadd.s32 v4, v20  }
0x65: {  	v17 =	vadd.s32 v7, v37;
	v37 =	vadd.s32 v11, v44;
	vm2 =	vgt.f32 v47, v16;
	v43 =	vld.idx.msk [tilespmem:v48+s2+$0x0], $0xffff  }
0x66: {  	v24 =	vsel vm1, s17, v24;
	s17 =	smov.u32 s26;
	vm3 =	vgt.f32 v40, v19;
	v16 =	vsel vm2, v47, v16;
	v28 =	vld.idx.msk [tilespmem:v39+s2+$0x0], $0xffff  }
0x67: {  	v19 =	vsel vm3, v40, v19;
	v18 =	vsel vm3, s21, v18;
	v39 =	vld.idx.msk [tilespmem:v22+s2+$0x0], $0xffff;
	v22 =	vsel vm0, s15, v24;
	s15 =	smov.u32 s25  }
0x68: {  	vm1 =	vgt.f32 v34, v16;
	vm0 =	vgt.f32 v36, v19;
	v24 =	vld.idx.msk [tilespmem:v42+s2+$0x0], $0xffff;
	v40 =	vsel vm2, s14, v22;
	s14 =	smov.u32 s24  }
0x69: {  	v16 =	vsel vm1, v34, v16;
	v36 =	vsel vm0, v36, v19;
	v19 =	vadd.s32 v7, v49;
	v22 =	vld.idx.msk [tilespmem:v51+s2+$0x0], $0xffff  }
0x6a: {  	vm2 =	vgt.f32 v30, v16;
	vm3 =	vgt.f32 v52, v36;
	v34 =	vld.idx.msk [tilespmem:v17+s2+$0x0], $0xffff;
	v17 =	vsel vm1, s18, v40;
	s18 =	smov.u32 s23  }
0x6b: {  	v18 =	vsel vm0, s16, v18;
	v30 =	vsel vm2, v30, v16;
	v36 =	vsel vm3, v52, v36;
	v20 =	vld.idx.msk [tilespmem:v20+s2+$0x0], $0xffff  }
0x6c: {  	vm4 =	vgt.f32 v45, v41;
	vm1 =	vgt.f32 v38, v30;
	vm0 =	vgt.f32 v43, v36;
	v16 =	vld.idx.msk [tilespmem:v46+s2+$0x0], $0xffff  }
0x6d: {  	v42 =	vand.u32 $0x3F8, v53;
	v17 =	vsel vm2, s20, v17;
	vm2 =	vgt.f32 v39, v32;
	v40 =	vld.idx.msk [tilespmem:v50+s2+$0x0], $0xffff  }
0x6e: {  	v30 =	vsel vm1, v38, v30;
	v38 =	vadd.s32 v6, v42;
	v32 =	vsel vm2, v39, v32  }
0x6f: {  	v18 =	vsel vm3, s17, v18;
	v39 =	vsel vm4, v45, v41;
	vm5 =	vgt.f32 v26, v32;
	v27 =	vld.idx.msk [tilespmem:v27+s2+$0x0], $0xffff  }
0x70: {  	v31 =	vsel vm2, s22, v31;
	v26 =	vsel vm5, v26, v32;
	v32 =	vsel vm4, s21, v35  }
0x71: {  	v35 =	vsel vm1, s22, v17;
	v31 =	vsel vm5, s21, v31;
	vm1 =	vgt.f32 v20, v26;
	v17 =	vld.idx.msk [tilespmem:v37+s2+$0x0], $0xffff  }
0x72: {  	vm2 =	vgt.f32 v24, v30;
	v20 =	vsel vm1, v20, v26;
	v31 =	vsel vm1, s16, v31;
	v29 =	vld.idx.msk [tilespmem:v29+s2+$0x0], $0xffff  }
0x73: {  	vm1 =	vgt.f32 v34, v39;
	v26 =	vsel vm0, v43, v36;
	vm3 =	vgt.f32 v25, v20;
	v36 =	vld.idx.msk [tilespmem:v38+s2+$0x0], $0xffff  }
0x74: {  	v34 =	vsel vm1, v34, v39;
	v20 =	vsel vm3, v25, v20;
	v25 =	vsel vm3, s17, v31  }
0x75: {  	v30 =	vsel vm2, v24, v30;
	vm4 =	vgt.f32 v33, v34;
	vm3 =	vgt.f32 v27, v20  }
0x76: {  	v24 =	vsel vm2, s21, v35;
	v20 =	vsel vm3, v27, v20;
	v25 =	vsel vm3, s15, v25  }
.Ltmp0:
0x77: {  	vm2 =	vgt.f32 v40, v30;
	v27 =	vsel vm4, v33, v34;
	vm3 =	vgt.f32 v23, v20;
	(pc) =	sbr.rel @p0 .LBB2_3-.Ltmp0, $4  }
0x78: {  	v31 =	vsel vm1, s16, v32;
	v23 =	vsel vm3, v23, v20;
	v32 =	vsel vm3, s14, v25  }
0x79: {  	v20 =	vsel vm2, v40, v30;
	vm3 =	vgt.f32 v29, v27;
	vm1 =	vgt.f32 v36, v23  }
0x7a: {  	v29 =	vsel vm3, v29, v27;
	v25 =	vsel vm1, v36, v23;
	v23 =	vsel vm1, s18, v32  }
0x7b: {  	s20 =	sadd.s32 $0x8, s20;
	v27 =	vsel vm4, s17, v31;
	vm1 =	vgt.f32 v17, v20;
	vm4 =	vgt.f32 v21, v29  }
0x7c: {  	_ =	sdelay $0x1  }
0x7d: {  	v30 =	vadd.s32 $0xF8, v0  }
0x7e: {  	v31 =	vadd.s32 $0x1F2, v0;
	v32 =	vadd.s32 $0x2EC, v0;
	vm5 =	vgt.f32 v28, v26  }
0x7f: {  	v14 =	vld.idx.msk [tilespmem:v14+s2+$0x0], $0xffff;
	v33 =	vadd.s32 $0x3E6, v0;
	v45 =	vadd.s32 $0xF9, v0;
	v24 =	vsel vm2, s16, v24  }
0x80: {  	v19 =	vld.idx.msk [tilespmem:v19+s2+$0x0], $0xffff;
	v17 =	vsel vm1, v17, v20;
	v47 =	vadd.s32 $0x1F3, v0;
	v21 =	vsel vm4, v21, v29  }
0x81: {  	v15 =	vld.idx.msk [tilespmem:v15+s2+$0x0], $0xffff;
	v49 =	vadd.s32 $0x2ED, v0;
	v51 =	vadd.s32 $0x3E7, v0;
	v52 =	vsel vm3, s15, v27  }
0x82: {  	v62 =	vadd.s32 $0x2EE, v23;
	v26 =	vsel vm5, v28, v26;
	vm9 =	vgt.f32 v16, v17;
	v46 =	vld.idx.msk [tilespmem:v30+s2+$0x0], $0xffff  }
0x83: {  	vm6 =	vgt.f32 v22, v21;
	v54 =	vsel vm4, s14, v52;
	v16 =	vsel vm9, v16, v17;
	v48 =	vld.idx.msk [tilespmem:v31+s2+$0x0], $0xffff  }
0x84: {  	v24 =	vsel vm1, s17, v24;
	v21 =	vsel vm6, v22, v21;
	v50 =	vld.idx.msk [tilespmem:v32+s2+$0x0], $0xffff;
	vm10 =	vgt.f32 v14, v16  }
0x85: {  	v57 =	vsel vm9, s15, v24;
	v53 =	vld.idx.msk [tilespmem:v33+s2+$0x0], $0xffff;
	vm11 =	vgt.f32 v19, v26;
	v14 =	vsel vm10, v14, v16  }
0x86: {  	v19 =	vsel vm11, v19, v26;
	v16 =	vsel vm6, s18, v54;
	vm12 =	vgt.f32 v15, v14  }
0x87: {  	v55 =	vld.idx.msk [tilespmem:v45+s2+$0x0], $0xffff;
	v14 =	vsel vm12, v15, v14;
	v15 =	vsel vm0, s15, v18;
	v18 =	vsel vm10, s14, v57  }
0x88: {  	v56 =	vld.idx.msk [tilespmem:v47+s2+$0x0], $0xffff;
	v16 =	vadd.s32 $0x1F4, v16;
	v15 =	vsel vm5, s14, v15;
	v18 =	vsel vm12, s18, v18  }
0x89: {  	v58 =	vld.idx.msk [tilespmem:v49+s2+$0x0], $0xffff;
	v15 =	vsel vm11, s18, v15;
	vm13 =	vgt.f32 v46, v19;
	vm14 =	vgt.f32 v48, v14  }
0x8a: {  	v59 =	vld.idx.msk [tilespmem:v51+s2+$0x0], $0xffff;
	vm2 =	vgt.f32 v50, v21;
	vm15 =	vgt.f32 v53, v25;
	v18 =	vadd.s32 $0xFA, v18  }
0x8b: {  	v19 =	vsel vm13, v46, v19;
	v14 =	vsel vm14, v48, v14;
	v17 =	vsel vm2, v50, v21  }
0x8c: {  	v60 =	vsel vm15, v53, v25;
	v15 =	vsel vm13, $0xF8, v15;
	v18 =	vsel vm14, $0x1F2, v18  }
0x8d: {  	v16 =	vsel vm2, $0x2EC, v16;
	vm9 =	vgt.f32 v55, v19;
	vm10 =	vgt.f32 v56, v14  }
0x8e: {  	v63 =	vsel vm15, $0x3E6, v62;
	v19 =	vsel vm9, v55, v19;
	v14 =	vsel vm10, v56, v14  }
0x8f: {  	vm11 =	vgt.f32 v58, v17;
	vm12 =	vgt.f32 v59, v60;
	vm13 =	vgt.f32 v14, v19  }
0x90: {  	v61 =	vld [tilespmem:s13+$0x3E80];
	v17 =	vsel vm11, v58, v17;
	v20 =	vsel vm12, v59, v60;
	v14 =	vsel vm13, v14, v19  }
0x91: {  	s12 =	sadd.s32 $0x1, s12;
	v15 =	vsel vm9, $0xF9, v15;
	v18 =	vsel vm10, $0x1F3, v18;
	vm14 =	vgt.f32 v17, v14  }
0x92: {  	p0 =	sne.s32 s12, $0x4;
	v16 =	vsel vm11, $0x2ED, v16;
	v15 =	vsel vm13, v18, v15;
	v14 =	vsel vm14, v17, v14  }
.Ltmp1:
0x93: {  	v15 =	vsel vm14, v16, v15;
	vm15 =	vgt.f32 v20, v14;
	v14 =	vsel vm12, $0x3E7, v63;
	(pc) =	sbr.rel @p0 .LBB2_2-.Ltmp1, $4  }
0x94: {  	v14 =	vsel vm15, v14, v15  }
0x95: {  	vm0 =	veq.s32 v14, v61  }
0x96: {  	v14 =	vsel vm0, $0x1, v12  }
0x97: {  	v13 =	vadd.s32 v14, v13  }
0x98: {  	v13 =	vcvt.s32.f32 v13;
	s11 =	sadd.s32 $0x1, s11  }
0x99: {  	p0 =	sne.s32 s11, s7  }
.Ltmp2:
0x9a: {  	[tilespmem:$0x3EC0] =	vst v13;
	(pc) =	sbr.rel @p0 .LBB2_1-.Ltmp2, $4  }
0x9b: {  	[hbm4b:s6+s2] =	stream.linear.scatter [tilespmem:s10], [sflag:$0x1], $0x10, $0x38;
	[tilespmem:$0x3ED0] =	vst v63  }
0x9c: {  	_ =	swait.ge [sflag:s9], $0x10  }
0x9d: {  	[sflag:s9] =	ssyncset.done $0x0  }
0x9e: {  	[sflag:s9] =	ssyncadd.s32 $0xFFFFFFF0  }
0x9f: {  	_ =	sfence.sel $0x180000  }
0xa0: {  	[bflag:$0x0] =	sbarrier.arrive $0xFFFF  }
0xa1: {  	p0 =	sne.s32 s1, $0x0;
	_ =	strace $0x90000047  }
0xa2: {  	s0 =	sadd.s32 @!p0 $0x100000, s0;
	[bflag:$0x2] =	sbarrier.arrive $0xFFFF  }
0xa3: {  	[sflag:s0] =	ssyncadd.tile.s32 @!p0 $0x1;
	_ =	shalt  }
.Lfunc_end2:
_tile_overlayer_lowered:
.L_overlay_start_2:
0xa4: {  	(tag) =	ssettag $0x2  }
0xa5: {  	s0 =	rddreg [dreg:$0x0];
	s2 =	stileid.u32  }
0xa6: {  	s1 =	rddreg [dreg:$0x1];
	p0 =	sne.s32 s2, $0x0  }
0xa7: {  	s3 =	rddreg [dreg:$0x2];
	[bflag:$0x3] =	sbarrier.arrive $0xFFFF;
	s2 =	simm.s32 @!p0 $0x1C01  }
0xa8: {  	[timem:s3], [sflag:s2] =	dma.local @!p0 [hbm:s0], s1  }
0xa9: {  	s0 =	simm.s32 @!p0 $0x1  }
0xaa: {  	_ =	swait.ge @!p0 [sflag:s0], s1  }
0xab: {  	s1 =	ssub.s32 @!p0 $0x0, s1;
	[sflag:s0] =	ssyncset.done @!p0 $0x0  }
0xac: {  	[sflag:s0] =	ssyncadd.s32 @!p0 s1  }
0xad: {  	[bflag:$0x3] =	sbarrier.arrive $0xFFFF  }
0xae: {  	_ =	shalt  }

</sc_bundles>
